<compile_context>
chip_gen: v7x
topology: tpu7x:2x2x1
jax: 0.10.2.dev20260603
libtpu: 0.0.44.dev20260713+nightly
codegen_flags: <defaults>
</compile_context>

<pallas_src>
import numpy as np
import jax
import jax.numpy as jnp
from jax.experimental import pallas as pl


def _ncg_logits_kernel(s_ref, g_ref, p_ref, o_ref):
    v = g_ref[...] * 0.5 + s_ref[...] - 0.5
    bb, bd = v.shape
    pm = p_ref[...]
    for k in range(bd // 128):
        o_ref[:, pl.ds(256 * k, 256)] = jax.lax.dot(
            v[:, 128 * k : 128 * (k + 1)], pm,
            preferred_element_type=jnp.float32,
        )


def kernel(s, g):
    B, D = s.shape
    bd = 1024
    p = np.zeros((128, 256), dtype=np.float32)
    p[np.arange(128), 2 * np.arange(128) + 1] = 1.0
    p = jnp.asarray(p)
    out = pl.pallas_call(
        _ncg_logits_kernel,
        grid=(D // bd,),
        in_specs=[
            pl.BlockSpec((B, bd), lambda j: (0, j)),
            pl.BlockSpec((B, bd), lambda j: (0, j)),
            pl.BlockSpec((128, 256), lambda j: (0, 0)),
        ],
        out_specs=pl.BlockSpec((B, 2 * bd), lambda j: (0, j)),
        out_shape=jax.ShapeDtypeStruct((B, 2 * D), jnp.float32),
    )(s, g, p)
    return out.reshape(B, D, 2)

# --- scband reference (transcript-rebuilt; emitter-appended) ---
"""Pipeline reference for scband-ncgsampler-46926812676975 (READ-ONLY COPY).

The authoritative reference and input builder live on the scoring server;
editing this copy changes nothing except your own understanding.
"""

import jax, jax.numpy as jnp
import numpy as np

EPSILON = 1.0
TEMP = 2.0

def setup_inputs(seed: int = 0) -> dict:
    key = jax.random.key(seed)
    k1, k2 = jax.random.split(key)
    # binary states in {0,1} as float; uniform then round to emulate binary x
    s = jnp.round(jax.random.uniform(k1, (128, 32768), dtype=jnp.float32))
    g = jax.random.normal(k2, (128, 32768), dtype=jnp.float32)
    return {"s": s, "g": g}

def reference(s, g):
    # Faithful translation of NCGSampler.logits for var_type='binary' (ordinal path)
    state_space = jnp.asarray([0.0, 1.0], dtype=jnp.float32)
    logits = g / TEMP + s / EPSILON            # [B, D]
    logits = logits[..., None] * state_space   # [B, D, 2]
    logits = logits - (1.0 / (2.0 * EPSILON)) * state_space ** 2
    return logits

if __name__ == "__main__":
    import jax
    _d = setup_inputs()
    print(jax.jit(kernel)(*tuple(_d.values())))

</pallas_src>

<mosaic_0001>
module attributes {stable_mosaic.version = 14 : i64} {
  func.func @_ncg_logits_kernel(%arg0: i32, %arg1: memref<128x1024xf32, #tpu.memory_space<vmem>>, %arg2: memref<128x1024xf32, #tpu.memory_space<vmem>>, %arg3: memref<128x256xf32, #tpu.memory_space<vmem>>, %arg4: memref<128x2048xf32, #tpu.memory_space<vmem>>) attributes {dimension_semantics = [#tpu.dimension_semantics<arbitrary>], iteration_bounds = array<i64: 32>, scalar_prefetch = 0 : i64, scratch_operands = 0 : i64, tpu.core_type = #tpu.core_type<tc>, window_params = [{transform_indices = @transform_0, window_bounds = array<i64: 128, 1024>}, {transform_indices = @transform_1, window_bounds = array<i64: 128, 1024>}, {pipeline_mode = #tpu.pipeline_mode<synchronous>, transform_indices = @transform_2, window_bounds = array<i64: 128, 256>}, {transform_indices = @transform_3, window_bounds = array<i64: 128, 2048>}]} {
    %get3A = arith.constant 0 : index
    %get3A_0 = arith.constant 0 : index
    %get3A_1 = vector.load %arg2[%get3A, %get3A_0] : memref<128x1024xf32, #tpu.memory_space<vmem>>, vector<128x1024xf32>
    %mul3A = arith.constant 5.000000e-01 : f32
    %mul3A_2 = vector.broadcast %mul3A : f32 to vector<128x1024xf32>
    %mul3A_3 = arith.mulf %get3A_1, %mul3A_2 : vector<128x1024xf32>
    %get3A_4 = arith.constant 0 : index
    %get3A_5 = arith.constant 0 : index
    %get3A_6 = vector.load %arg1[%get3A_4, %get3A_5] : memref<128x1024xf32, #tpu.memory_space<vmem>>, vector<128x1024xf32>
    %add3A = arith.addf %mul3A_3, %get3A_6 : vector<128x1024xf32>
    %sub3A = arith.constant 5.000000e-01 : f32
    %sub3A_7 = vector.broadcast %sub3A : f32 to vector<128x1024xf32>
    %sub3A_8 = arith.subf %add3A, %sub3A_7 : vector<128x1024xf32>
    %get3A_9 = arith.constant 0 : index
    %get3A_10 = arith.constant 0 : index
    %get3A_11 = vector.load %arg3[%get3A_9, %get3A_10] : memref<128x256xf32, #tpu.memory_space<vmem>>, vector<128x256xf32>
    %slice3A = vector.extract_strided_slice %sub3A_8 {offsets = [0, 0], sizes = [128, 128], strides = [1, 1]} : vector<128x1024xf32> to vector<128x128xf32>
    %dot_general3A = arith.constant dense<0.000000e+00> : vector<128x256xf32>
    %dot_general3A_12 = tpu.matmul %slice3A, %get3A_11, %dot_general3A {dimension_numbers = #tpu.dot_dimension_numbers<[1], [0], [0], [1], [0, 0, 1, 1], [], []>, transpose_lhs_hint = false} : vector<128x128xf32>, vector<128x256xf32>, vector<128x256xf32> -> vector<128x256xf32>
    %swap3A = arith.constant 0 : index
    %swap3A_13 = arith.constant 0 : index
    %swap3A_14 = vector.load %arg4[%swap3A, %swap3A_13] : memref<128x2048xf32, #tpu.memory_space<vmem>>, vector<128x256xf32>
    tpu.vector_store %arg4[%swap3A, %swap3A_13], %dot_general3A_12 {strides = array<i32>} : memref<128x2048xf32, #tpu.memory_space<vmem>>, vector<128x256xf32>,
    %slice3A_15 = vector.extract_strided_slice %sub3A_8 {offsets = [0, 128], sizes = [128, 128], strides = [1, 1]} : vector<128x1024xf32> to vector<128x128xf32>
    %dot_general3A_16 = arith.constant dense<0.000000e+00> : vector<128x256xf32>
    %dot_general3A_17 = tpu.matmul %slice3A_15, %get3A_11, %dot_general3A_16 {dimension_numbers = #tpu.dot_dimension_numbers<[1], [0], [0], [1], [0, 0, 1, 1], [], []>, transpose_lhs_hint = false} : vector<128x128xf32>, vector<128x256xf32>, vector<128x256xf32> -> vector<128x256xf32>
    %swap3A_18 = arith.constant 0 : index
    %swap3A_19 = arith.constant 256 : index
    %swap3A_20 = vector.load %arg4[%swap3A_18, %swap3A_19] : memref<128x2048xf32, #tpu.memory_space<vmem>>, vector<128x256xf32>
    tpu.vector_store %arg4[%swap3A_18, %swap3A_19], %dot_general3A_17 {strides = array<i32>} : memref<128x2048xf32, #tpu.memory_space<vmem>>, vector<128x256xf32>,
    %slice3A_21 = vector.extract_strided_slice %sub3A_8 {offsets = [0, 256], sizes = [128, 128], strides = [1, 1]} : vector<128x1024xf32> to vector<128x128xf32>
    %dot_general3A_22 = arith.constant dense<0.000000e+00> : vector<128x256xf32>
    %dot_general3A_23 = tpu.matmul %slice3A_21, %get3A_11, %dot_general3A_22 {dimension_numbers = #tpu.dot_dimension_numbers<[1], [0], [0], [1], [0, 0, 1, 1], [], []>, transpose_lhs_hint = false} : vector<128x128xf32>, vector<128x256xf32>, vector<128x256xf32> -> vector<128x256xf32>
    %swap3A_24 = arith.constant 0 : index
    %swap3A_25 = arith.constant 512 : index
    %swap3A_26 = vector.load %arg4[%swap3A_24, %swap3A_25] : memref<128x2048xf32, #tpu.memory_space<vmem>>, vector<128x256xf32>
    tpu.vector_store %arg4[%swap3A_24, %swap3A_25], %dot_general3A_23 {strides = array<i32>} : memref<128x2048xf32, #tpu.memory_space<vmem>>, vector<128x256xf32>,
    %slice3A_27 = vector.extract_strided_slice %sub3A_8 {offsets = [0, 384], sizes = [128, 128], strides = [1, 1]} : vector<128x1024xf32> to vector<128x128xf32>
    %dot_general3A_28 = arith.constant dense<0.000000e+00> : vector<128x256xf32>
    %dot_general3A_29 = tpu.matmul %slice3A_27, %get3A_11, %dot_general3A_28 {dimension_numbers = #tpu.dot_dimension_numbers<[1], [0], [0], [1], [0, 0, 1, 1], [], []>, transpose_lhs_hint = false} : vector<128x128xf32>, vector<128x256xf32>, vector<128x256xf32> -> vector<128x256xf32>
    %swap3A_30 = arith.constant 0 : index
    %swap3A_31 = arith.constant 768 : index
    %swap3A_32 = vector.load %arg4[%swap3A_30, %swap3A_31] : memref<128x2048xf32, #tpu.memory_space<vmem>>, vector<128x256xf32>
    tpu.vector_store %arg4[%swap3A_30, %swap3A_31], %dot_general3A_29 {strides = array<i32>} : memref<128x2048xf32, #tpu.memory_space<vmem>>, vector<128x256xf32>,
    %slice3A_33 = vector.extract_strided_slice %sub3A_8 {offsets = [0, 512], sizes = [128, 128], strides = [1, 1]} : vector<128x1024xf32> to vector<128x128xf32>
    %dot_general3A_34 = arith.constant dense<0.000000e+00> : vector<128x256xf32>
    %dot_general3A_35 = tpu.matmul %slice3A_33, %get3A_11, %dot_general3A_34 {dimension_numbers = #tpu.dot_dimension_numbers<[1], [0], [0], [1], [0, 0, 1, 1], [], []>, transpose_lhs_hint = false} : vector<128x128xf32>, vector<128x256xf32>, vector<128x256xf32> -> vector<128x256xf32>
    %swap3A_36 = arith.constant 0 : index
    %swap3A_37 = arith.constant 1024 : index
    %swap3A_38 = vector.load %arg4[%swap3A_36, %swap3A_37] : memref<128x2048xf32, #tpu.memory_space<vmem>>, vector<128x256xf32>
    tpu.vector_store %arg4[%swap3A_36, %swap3A_37], %dot_general3A_35 {strides = array<i32>} : memref<128x2048xf32, #tpu.memory_space<vmem>>, vector<128x256xf32>,
    %slice3A_39 = vector.extract_strided_slice %sub3A_8 {offsets = [0, 640], sizes = [128, 128], strides = [1, 1]} : vector<128x1024xf32> to vector<128x128xf32>
    %dot_general3A_40 = arith.constant dense<0.000000e+00> : vector<128x256xf32>
    %dot_general3A_41 = tpu.matmul %slice3A_39, %get3A_11, %dot_general3A_40 {dimension_numbers = #tpu.dot_dimension_numbers<[1], [0], [0], [1], [0, 0, 1, 1], [], []>, transpose_lhs_hint = false} : vector<128x128xf32>, vector<128x256xf32>, vector<128x256xf32> -> vector<128x256xf32>
    %swap3A_42 = arith.constant 0 : index
    %swap3A_43 = arith.constant 1280 : index
    %swap3A_44 = vector.load %arg4[%swap3A_42, %swap3A_43] : memref<128x2048xf32, #tpu.memory_space<vmem>>, vector<128x256xf32>
    tpu.vector_store %arg4[%swap3A_42, %swap3A_43], %dot_general3A_41 {strides = array<i32>} : memref<128x2048xf32, #tpu.memory_space<vmem>>, vector<128x256xf32>,
    %slice3A_45 = vector.extract_strided_slice %sub3A_8 {offsets = [0, 768], sizes = [128, 128], strides = [1, 1]} : vector<128x1024xf32> to vector<128x128xf32>
    %dot_general3A_46 = arith.constant dense<0.000000e+00> : vector<128x256xf32>
    %dot_general3A_47 = tpu.matmul %slice3A_45, %get3A_11, %dot_general3A_46 {dimension_numbers = #tpu.dot_dimension_numbers<[1], [0], [0], [1], [0, 0, 1, 1], [], []>, transpose_lhs_hint = false} : vector<128x128xf32>, vector<128x256xf32>, vector<128x256xf32> -> vector<128x256xf32>
    %swap3A_48 = arith.constant 0 : index
    %swap3A_49 = arith.constant 1536 : index
    %swap3A_50 = vector.load %arg4[%swap3A_48, %swap3A_49] : memref<128x2048xf32, #tpu.memory_space<vmem>>, vector<128x256xf32>
    tpu.vector_store %arg4[%swap3A_48, %swap3A_49], %dot_general3A_47 {strides = array<i32>} : memref<128x2048xf32, #tpu.memory_space<vmem>>, vector<128x256xf32>,
    %slice3A_51 = vector.extract_strided_slice %sub3A_8 {offsets = [0, 896], sizes = [128, 128], strides = [1, 1]} : vector<128x1024xf32> to vector<128x128xf32>
    %dot_general3A_52 = arith.constant dense<0.000000e+00> : vector<128x256xf32>
    %dot_general3A_53 = tpu.matmul %slice3A_51, %get3A_11, %dot_general3A_52 {dimension_numbers = #tpu.dot_dimension_numbers<[1], [0], [0], [1], [0, 0, 1, 1], [], []>, transpose_lhs_hint = false} : vector<128x128xf32>, vector<128x256xf32>, vector<128x256xf32> -> vector<128x256xf32>
    %swap3A_54 = arith.constant 0 : index
    %swap3A_55 = arith.constant 1792 : index
    %swap3A_56 = vector.load %arg4[%swap3A_54, %swap3A_55] : memref<128x2048xf32, #tpu.memory_space<vmem>>, vector<128x256xf32>
    tpu.vector_store %arg4[%swap3A_54, %swap3A_55], %dot_general3A_53 {strides = array<i32>} : memref<128x2048xf32, #tpu.memory_space<vmem>>, vector<128x256xf32>,
    return
  }
  func.func @transform_0(%arg0: i32) -> (i32, i32) {
    %c0_i32 = arith.constant 0 : i32
    %c0_i32_0 = arith.constant 0 : i32
    return %c0_i32, %arg0 : i32, i32
  }
  func.func @transform_1(%arg0: i32) -> (i32, i32) {
    %c0_i32 = arith.constant 0 : i32
    %c0_i32_0 = arith.constant 0 : i32
    return %c0_i32, %arg0 : i32, i32
  }
  func.func @transform_2(%arg0: i32) -> (i32, i32) {
    %c0_i32 = arith.constant 0 : i32
    %c0_i32_0 = arith.constant 0 : i32
    %c0_i32_1 = arith.constant 0 : i32
    return %c0_i32, %c0_i32_0 : i32, i32
  }
  func.func @transform_3(%arg0: i32) -> (i32, i32) {
    %c0_i32 = arith.constant 0 : i32
    %c0_i32_0 = arith.constant 0 : i32
    return %c0_i32, %arg0 : i32, i32
  }
}

</mosaic_0001>

<sc_bundles>
// kernel: sparse-core-data-format-call.cloned.1.call-start
scs
called_computation_lowered:
.L_overlay_start_0:
0x0: {  	s2 =	sld [smem:$0x3FD9]  }
0x1: {  	s3 =	sld [smem:$0x3FFE];
	_ =	sdelay $0x1  }
0x2: {  	s1 =	srdreg.scid  }
0x3: {  	s0 =	sand.u32 $0x1, s1  }
0x4: {  	s18 =	sshll.u32 s0, $0xA;
	s2 =	sadd.s32 s3, s2  }
0x5: {  	s2 =	sadd.s32 s2, s18  }
0x6: {  	[smem:$0x3FC6] =	sst s2  }
0x7: {  	_ = 	snop  }
0x8: {  	s2 =	sld [smem:$0x3FD0];
	(tm) =	ssettm $0x1  }
0x9: {  	s19 =	sld [smem:$0x3FFB];
	_ =	sdelay $0x3  }
0xa: {  	_ =	strace s19  }
0xb: {  	s3 =	sld [smem:$0x3FFC];
	_ =	sdelay $0x3  }
0xc: {  	_ =	strace s3  }
0xd: {  	s3 =	sld [smem:$0x3FFD];
	_ =	sdelay $0x3  }
0xe: {  	_ =	strace s3  }
0xf: {  	_ =	strace $0x8FFFFFFF  }
0x10: {  	s20 =	sld [smem:$0x3FDB];
	_ =	sdelay $0x1  }
0x11: {  	s4 =	simm.s32 $_scs_section_size  }
0x12: {  	s5 =	simm.s32 $_size__tile_overlayer_lowered;
	s6 =	simm.s32 $_tile_overlayer_lowered  }
0x13: {  	s23 =	simm.s32 $0x1BFF;
	s22 =	sshll.u32 s6, $0x1;
	s3 =	sadd.s32 s4, s20  }
0x14: {  	s7 =	simm.s32 $0x0;
	s21 =	sshll.u32 s5, $0x1;
	s5 =	sadd.s32 s22, s3  }
0x15: {  	[timem:s7], [sflag:s23] =	dma.local [hbm:s5], s21  }
0x16: {  	_ =	swait.ge [sflag:s23], s21  }
0x17: {  	s4 =	ssub.s32 $0x0, s21;
	[sflag:s23] =	ssyncset.done $0x0  }
0x18: {  	[sflag:s23] =	ssyncadd.s32 s4;
	_ =	sdelay $0x1  }
0x19: {  	s24 =	simm.s32 $0x1B8B  }
0x1a: {  	_ =	swait.ge [sflag:s24], $0x1  }
0x1b: {  	[sflag:s24] =	ssyncset.done $0x0  }
0x1c: {  	s26 =	simm.s32 $0x1B8E;
	s25 =	sld [smem:$0x3FFE];
	[sflag:s24] =	ssyncadd.s32 $0xFFFFFFFF  }
0x1d: {  	s27 =	simm.s32 $execute0_lowered;
	[smem:$0x3FD2] =	sst s26  }
0x1e: {  	s5 =	sshll.u32 s27, $0x1;
	_ =	strace $0x80000046;
	[dreg:$0x1] =	wrdreg $0xFFFFFFFF  }
0x1f: {  	s28 =	simm.s32 $_size_execute0_lowered;
	s3 =	sadd.s32 s3, s5;
	[dreg:$0x0] =	wrdreg $0x0  }
0x20: {  	s5 =	sshll.u32 s28, $0x1;
	[dreg:$0x2] =	wrdreg s3  }
0x21: {  	[dreg:$0x3] =	wrdreg s5  }
0x22: {  	[dreg:$0x4] =	wrdreg $0xC0  }
0x23: {  	_ =	task [dreg:s7], $0x5FFFF  }
0x24: {  	[dreg:$0x1] =	wrdreg $0xFFFFFFFF  }
0x25: {  	[dreg:$0x0] =	wrdreg $0x60  }
0x26: {  	[dreg:$0x2] =	wrdreg s25  }
0x27: {  	[dreg:$0x3] =	wrdreg s2  }
0x28: {  	[dreg:$0x4] =	wrdreg $0x9  }
0x29: {  	_ =	task.clear_ibuf [dreg:s7], $0x5FFFF;
	_ =	strace $0x90000046  }
0x2a: {  	s29 =	simm.s32 $0x9;
	_ =	strace $0x80000048  }
0x2b: {  	_ =	swait.ge [sflag:s29], $0x1  }
0x2c: {  	[sflag:s29] =	ssyncadd.s32 $0xFFFFFFFF  }
0x2d: {  	_ =	strace $0x90000048  }
0x2e: {  	_ =	sfence  }
0x2f: {  	s30 =	sld [smem:$0x0];
	_ =	sdelay $0x2  }
0x30: {  	s31 =	sshll.u32 s1, $0xD;
	s1 =	sshrl.u32 s1, $0x2  }
0x31: {  	s3 =	sand.u32 $0x4000, s31;
	s1 =	sadd.s32 s1, s30  }
0x32: {  	s0 =	sor.u32 s3, s0;
	s1 =	sshll.u32 s1, $0x11  }
0x33: {  	s0 =	sor.u32 s1, s0  }
0x34: {  	s0 =	sadd.s32 $0x8F2B, s0  }
0x35: {  	[sflag:s0] =	ssyncadd.remote.s32 $0x1  }
0x36: {  	_ =	sfence.sel $0xFFFF  }
0x37: {  	[dreg:$0x0] =	wrdreg $0xFFFFFFFF;
	(pc) =	sbr.abs _section_cstart, $3  }
0x38: {  	[dreg:$0x1] =	wrdreg $0xFFFFFFFF  }
0x39: {  	_ =	task.clear_ibuf [dreg:s7], $0x2FFFF;
	_ =	strace $0x9FFFFFFF  }
0x3a: {  	(tm) =	ssettm $0x7FFFFFFF  }
0x3b: {  	_ =	shalt  }
tec
execute0_lowered:
.L_overlay_start_1:
0x0: {  	(tag) =	ssettag $0x1  }
0x1: {  	s0 =	srdreg.scid;
	s4 =	rddreg [dreg:$0x0]  }
0x2: {  	s2 =	rddreg [dreg:$0x1];
	s7 =	simm.s32 $0x1;
	s1 =	sshll.u32 s0, $0x4  }
0x3: {  	s8 =	simm.s32 $0x2;
	s0 =	stileid.u32;
	s1 =	sand.u32 $0x10, s1  }
0x4: {  	s13 =	simm.s32 $0x0;
	s12 =	simm.s32 $0x0;
	s1 =	sor.u32 s0, s1  }
0x5: {  	s9 =	simm.s32 $0x0;
	s11 =	simm.s32 $0x0;
	s3 =	sshll.u32 s1, $0x7  }
0x6: {  	s4 =	sadd.s32 $0x800, s4;
	s1 =	rddreg [dreg:$0x2];
	s6 =	ssub.s32 $0x8000, s3  }
.Ltmp0:
0x7: {  	_ =	strace $0x80000047;
	s5 =	sand.u32 $0xF80, s6;
	(pc) =	sbr.rel .LBB1_1-.Ltmp0, $4  }
0x8: {  	s10 =	smov.u32 s3;
	p0 =	sne.s32 s5, $0x0;
	s5 =	simm.s32 $0x1  }
0x9: {  	s6 =	sshrl.u32 s6, $0xC;
	s7 =	simm.s32 @!p0 $0x0;
	[sflag:s5] =	ssyncpa.u1 $0x0  }
0xa: {  	p0 =	por $0x0, $0x0;
	s7 =	sadd.s32 s7, s6;
	[sflag:s8] =	ssyncpa.u1 $0x0  }
0xb: {  	s8 =	simm.s32 $0x10000;
	s6 =	sshll.u32 s7, $0x1;
	s7 =	sshllo.u32 s7, $0x1  }
.LBB1_4:
0xc: {  	v5 =	vld [tilespmem:s17+$0xFFFFFFD0];
	[tilespmem:s16+$0x2040 ss:$0x81] =	vst.msk $0xffff, v1  }
0xd: {  	v58 =	vld [tilespmem:s17+$0xFFFFFFE0];
	[tilespmem:s16+$0x2850 ss:$0x81] =	vst.msk $0xffff, v2  }
0xe: {  	s18 =	sshra.s32 s18, $0x2;
	v59 =	vld [tilespmem:s17+$0xFFFFFFF0];
	[tilespmem:s16+$0x3060 ss:$0x81] =	vst.msk $0xffff, v3  }
0xf: {  	v60 =	vld [tilespmem:s17+$0x0];
	[tilespmem:s16+$0x0 ss:$0x81] =	vst.msk $0xffff, v0;
	s15 =	sadd.s32 s18, s15  }
0x10: {  	v61 =	vld [tilespmem:s17+$0x10];
	[tilespmem:s15+$0x3870 ss:$0x81] =	vst.msk $0xffff, v4  }
0x11: {  	v62 =	vld [tilespmem:s17+$0x20];
	[tilespmem:s15+$0x810 ss:$0x81] =	vst.msk $0xffff, v5  }
0x12: {  	v63 =	vld [tilespmem:s17+$0xFFFFFFC0];
	s29 =	sshll.u32 s12, $0x1;
	[tilespmem:s15+$0x1020 ss:$0x81] =	vst.msk $0xffff, v58  }
0x13: {  	s30 =	sand.u32 $0x78, s12;
	s13 =	sshll.u32 s13, $0x7;
	s16 =	sand.u32 $0xFF00, s29;
	[tilespmem:s15+$0x1830 ss:$0x81] =	vst.msk $0xffff, v59  }
0x14: {  	s13 =	sand.u32 $0x80, s13;
	s16 =	sor.u32 s30, s16;
	[tilespmem:s15+$0x2040 ss:$0x81] =	vst.msk $0xffff, v60  }
0x15: {  	s31 =	sand.u32 $0x7, s12;
	s13 =	sor.u32 s13, s16;
	[tilespmem:s15+$0x2850 ss:$0x81] =	vst.msk $0xffff, v61  }
0x16: {  	s12 =	sshll.u32 s31, $0x12;
	s13 =	sshrl.u32 s13, $0x3;
	[tilespmem:s15+$0x3060 ss:$0x81] =	vst.msk $0xffff, v62  }
0x17: {  	s12 =	sor.u32 $0x80, s12;
	[tilespmem:s15+$0x0 ss:$0x81] =	vst.msk $0xffff, v63;
	s13 =	sadd.s32 s2, s13  }
0x18: {  	[hbm4b:s13+s12] =	stream.strided.scatter [tilespmem:s14], [sflag:$0x2], $0x4000, s8, s12, $0x20;
	[tilespmem:$0x10100] =	vst v63  }
.LBB1_5:
0x19: {  	s14 =	sadd.s32 $0x1, s9  }
0x1a: {  	s12 =	sadd.s32 $0x1000, s10;
	s16 =	smov.u32 s10;
	p2 =	sgt.s32 s14, $0x1  }
0x1b: {  	s16 =	smov.u32 @p2 s12  }
0x1c: {  	s14 =	simm.s32 @p2 $0x0;
	p2 =	sgt.s32 s16, $0x7FFF  }
0x1d: {  	s16 =	smov.u32 @p2 s3;
	p2 =	sne.s32 s11, s7  }
.Ltmp1:
0x1e: {  	p1 =	slt.u32 s11, $0x2;
	(pc) =	sbr.rel @!p2 .LBB1_6-.Ltmp1, $4  }
0x1f: {  	s15 =	simm.s32 @!p1 $0x2  }
0x20: {  	s13 =	smov.u32 s9;
	p0 =	por !p0, !p0;
	_ =	swait.ge @!p1 [sflag:s15], $0x4000  }
0x21: {  	s12 =	smov.u32 s10;
	[sflag:s15] =	ssyncset.done @!p1 $0x0;
	s9 =	smov.u32 s14  }
0x22: {  	s11 =	sadd.s32 $0x1, s11;
	[sflag:s15] =	ssyncadd.s32 @!p1 $0xFFFFC000;
	s10 =	smov.u32 s16  }
.LBB1_1:
0x23: {  	p1 =	sge.u32 s11, s6  }
0x24: {  	s31 =	sadd.s32 $0xFFFFFFFF, s11;
	s14 =	sxor.u32 @!p1 $0xFFFFFFFF, s11  }
0x25: {  	s15 =	sshll.u32 @!p1 s10, $0x5;
	s16 =	sshll.u32 @!p1 s9, $0x4;
	s17 =	simm.s32 @!p1 $0x100  }
0x26: {  	s14 =	sshll.u32 @!p1 s14, $0xE;
	s16 =	sand.u32 @!p1 $0x10, s16;
	s15 =	sadd.s32 @!p1 s4, s15  }
0x27: {  	s14 =	sand.u32 @!p1 $0x4000, s14;
	s15 =	sadd.s32 @!p1 s16, s15;
	s16 =	simm.s32 @!p1 $0x80  }
0x28: {  	[tilespmem:s14], [sflag:$0x1] =	stream.strided.gather @!p1 [hbm4b:s15+s16], $0x4000, s17, s16, $0x38;
	[tilespmem:$0x10100] =	vst v63  }
0x29: {  	p1 =	sge.u32 s31, s6  }
.Ltmp2:
0x2a: {  	_ = 	snop;
	(pc) =	sbr.rel @p1 .LBB1_5-.Ltmp2, $1  }
0x2b: {  	_ =	sdelay $0x3  }
0x2c: {  	s14 =	simm.s32 $0x1  }
0x2d: {  	_ =	swait.ge [sflag:s5], $0x4000;
	s14 =	simm.s32 @!p0 $0x0  }
0x2e: {  	[sflag:s5] =	ssyncset.done $0x0;
	s15 =	sshll.u32 s14, $0xE  }
0x2f: {  	[sflag:s5] =	ssyncadd.s32 $0xFFFFC000;
	s17 =	sor.u32 $0x40, s15  }
0x30: {  	s14 =	smul.u32 $0x10200, s14;
	v0 =	vld [tilespmem:s17+$0x30]  }
0x31: {  	v3 =	vld [tilespmem:s17+$0xFFFFFFD0]  }
0x32: {  	s14 =	sshrl.u32 s14, $0x2;
	v4 =	vld [tilespmem:s17+$0xFFFFFFE0]  }
0x33: {  	v5 =	vld [tilespmem:s17+$0xFFFFFFF0];
	s15 =	sor.u32 $0x8000, s14  }
0x34: {  	s31 =	sand.u32 $0x1, s11;
	v1 =	vld [tilespmem:s17+$0x0];
	s16 =	sadd.s32 $0x0, s15  }
0x35: {  	v2 =	vld [tilespmem:s17+$0x10];
	s14 =	smul.u32 $0x10200, s31;
	[tilespmem:s16+$0x3870 ss:$0x81] =	vst.msk $0xffff, v0  }
0x36: {  	[tilespmem:s16+$0x810 ss:$0x81] =	vst.msk $0xffff, v3;
	v3 =	vld [tilespmem:s17+$0x20]  }
0x37: {  	s14 =	sshrl.u32 s14, $0x2;
	v0 =	vld [tilespmem:s17+$0xFFFFFFC0];
	[tilespmem:s16+$0x1020 ss:$0x81] =	vst.msk $0xffff, v4;
	s17 =	sadd.s32 $0x80, s17  }
0x38: {  	s18 =	simm.s32 $0x4;
	s19 =	simm.s32 $0x8;
	s14 =	sor.u32 $0x8000, s14;
	[tilespmem:s16+$0x1830 ss:$0x81] =	vst.msk $0xffff, v5;
	v4 =	vld [tilespmem:s17+$0x30]  }
.LBB1_3:
0x39: {  	p1 =	sne.s32 s19, $0x1FC;
	v5 =	vld [tilespmem:s17+$0xFFFFFFD0];
	[tilespmem:s16+$0x2040 ss:$0x81] =	vst.msk $0xffff, v1  }
0x3a: {  	v6 =	vld [tilespmem:s17+$0xFFFFFFE0];
	[tilespmem:s16+$0x2850 ss:$0x81] =	vst.msk $0xffff, v2  }
0x3b: {  	s20 =	sshra.s32 s18, $0x2;
	s18 =	smov.u32 s19;
	v7 =	vld [tilespmem:s17+$0xFFFFFFF0];
	[tilespmem:s16+$0x3060 ss:$0x81] =	vst.msk $0xffff, v3  }
.Ltmp3:
0x3c: {  	v1 =	vld [tilespmem:s17+$0x0];
	[tilespmem:s16+$0x0 ss:$0x81] =	vst.msk $0xffff, v0;
	s16 =	sadd.s32 s20, s15;
	(pc) =	sbr.rel @p1 .LBB1_3-.Ltmp3, $4  }
0x3d: {  	v2 =	vld [tilespmem:s17+$0x10];
	[tilespmem:s16+$0x3870 ss:$0x81] =	vst.msk $0xffff, v4  }
0x3e: {  	[tilespmem:s16+$0x810 ss:$0x81] =	vst.msk $0xffff, v5;
	v3 =	vld [tilespmem:s17+$0x20]  }
0x3f: {  	v0 =	vld [tilespmem:s17+$0xFFFFFFC0];
	[tilespmem:s16+$0x1020 ss:$0x81] =	vst.msk $0xffff, v6;
	s17 =	sadd.s32 $0x80, s17  }
0x40: {  	s19 =	sadd.s32 $0x4, s19;
	v4 =	vld [tilespmem:s17+$0x30];
	[tilespmem:s16+$0x1830 ss:$0x81] =	vst.msk $0xffff, v7  }
.Ltmp4:
0x41: {  	_ = 	snop;
	(pc) =	sbr.rel .LBB1_4-.Ltmp4, $1  }
0x42: {  	_ =	sdelay $0x3  }
.LBB1_6:
0x43: {  	_ =	sfence.sel $0x180000  }
0x44: {  	s2 =	simm.s32 $0x1;
	[bflag:$0x0] =	sbarrier.arrive $0xFFFF  }
0x45: {  	s31 =	simm.s32 $0x2;
	[sflag:s2] =	ssyncpa.u1 $0x1  }
0x46: {  	[sflag:s31] =	ssyncpa.u1 $0x1  }
0x47: {  	p0 =	sne.s32 s0, $0x0;
	_ =	strace $0x90000047  }
0x48: {  	s0 =	sadd.s32 @!p0 $0x100000, s1;
	[bflag:$0x2] =	sbarrier.arrive $0xFFFF  }
0x49: {  	[sflag:s0] =	ssyncadd.tile.s32 @!p0 $0x1;
	_ =	shalt  }
.Lfunc_end1:
_tile_overlayer_lowered:
.L_overlay_start_2:
0x4a: {  	(tag) =	ssettag $0x2  }
0x4b: {  	s0 =	rddreg [dreg:$0x0];
	s2 =	stileid.u32  }
0x4c: {  	s1 =	rddreg [dreg:$0x1];
	p0 =	sne.s32 s2, $0x0  }
0x4d: {  	s3 =	rddreg [dreg:$0x2];
	[bflag:$0x3] =	sbarrier.arrive $0xFFFF;
	s2 =	simm.s32 @!p0 $0x1C01  }
0x4e: {  	[timem:s3], [sflag:s2] =	dma.local @!p0 [hbm:s0], s1  }
0x4f: {  	s0 =	simm.s32 @!p0 $0x1  }
0x50: {  	_ =	swait.ge @!p0 [sflag:s0], s1  }
0x51: {  	s1 =	ssub.s32 @!p0 $0x0, s1;
	[sflag:s0] =	ssyncset.done @!p0 $0x0  }
0x52: {  	[sflag:s0] =	ssyncadd.s32 @!p0 s1  }
0x53: {  	[bflag:$0x3] =	sbarrier.arrive $0xFFFF  }
0x54: {  	_ =	shalt  }

</sc_bundles>
